<compile_context>
chip_gen: v7x
topology: tpu7x:2x2x1
jax: 0.10.2.dev20260603
libtpu: 0.0.44.dev20260713+nightly
codegen_flags: <defaults>
</compile_context>

<pallas_src>
import functools
import math

import jax
import jax.numpy as jnp
from jax import lax
from jax.experimental import pallas as pl
from jax.experimental.pallas import tpu as pltpu
from jax.experimental.pallas import tpu_sc as plsc

_INTERPRET = False
_NC = 16
_HIGH = jax.lax.Precision.HIGHEST


def _round_up(a, b):
    return (a + b - 1) // b * b


def _dot(a, b):
    return jax.lax.dot_general(a, b, (((1,), (0,)), ((), ())),
                               preferred_element_type=jnp.float32)


def _bf(x):
    return x.astype(jnp.bfloat16).astype(jnp.float32)


def _knn(points, queries, K):
    B, N, _ = points.shape
    M = queries.shape[1]
    TM = min(M, 512)
    ptT = jnp.swapaxes(points, 1, 2)

    def body(pt_ref, q_ref, o_ref):
        b = pl.program_id(0)
        pt = pt_ref[0]
        q = q_ref[0]
        qp = _dot(q, pt)
        psq = jnp.sum(pt * pt, axis=0, keepdims=True)
        qsq = jnp.sum(q * q, axis=1, keepdims=True)
        d2 = qsq - 2.0 * qp + psq
        iota = jax.lax.broadcasted_iota(jnp.int32, (TM, N), 1) + b * N
        big_i = jnp.int32(2**31 - 1)
        cols = []
        for _ in range(K):
            vmin = jnp.min(d2, axis=1, keepdims=True)
            eq = d2 == vmin
            sel = jnp.min(jnp.where(eq, iota, big_i), axis=1, keepdims=True)
            cols.append(sel)
            d2 = jnp.where(iota == sel, jnp.float32(jnp.inf), d2)
        o_ref[0] = jnp.concatenate(cols, axis=1)

    return pl.pallas_call(
        body,
        grid=(B, M // TM),
        in_specs=[
            pl.BlockSpec((1, 3, N), lambda b, i: (b, 0, 0)),
            pl.BlockSpec((1, TM, 3), lambda b, i: (b, i, 0)),
        ],
        out_specs=pl.BlockSpec((1, TM, K), lambda b, i: (b, i, 0)),
        out_shape=jax.ShapeDtypeStruct((B, M, K), jnp.int32),
        interpret=_INTERPRET,
    )(ptT, queries)


@functools.lru_cache(maxsize=None)
def _make_sc_gather(T, D, R):
    nchunks = R // 128
    NW = 32
    c_per_w = -(-nchunks // NW)
    mesh = plsc.VectorSubcoreMesh(core_axis_name="c", subcore_axis_name="s")

    @functools.partial(
        pl.kernel, mesh=mesh,
        out_type=jax.ShapeDtypeStruct((R, D), jnp.float32),
        scratch_types=[
            pltpu.VMEM((128,), jnp.int32),
            pltpu.VMEM((128, D), jnp.float32),
            pltpu.SemaphoreType.DMA,
        ],
    )
    def k(table_hbm, idx_hbm, out_hbm, idx_v, rows_v, sem):
        wid = lax.axis_index("s") * 2 + lax.axis_index("c")

        def body(j, carry):
            chunk = wid + NW * j

            @pl.when(chunk < nchunks)
            def _():
                pltpu.sync_copy(idx_hbm.at[chunk], idx_v)
                pltpu.async_copy(table_hbm.at[idx_v], rows_v, sem).wait()
                pltpu.sync_copy(rows_v, out_hbm.at[pl.ds(chunk * 128, 128)])
            return carry

        lax.fori_loop(0, c_per_w, body, 0)

    return k


def _sc_gather(table, idx2d):
    T, D = table.shape
    R = idx2d.shape[0] * 128
    return _make_sc_gather(T, D, R)(table, idx2d)


def _compute(g, q, prm, K, C, D):
    rows = q.shape[0]
    nc = _NC
    JC = nc * C
    TM = min(rows, max(8, 1 << (6_000_000 // (K * JC)).bit_length() - 1),
             256)
    RK = TM * K
    cout = prm['weight'].shape[2]

    cen = jnp.pad(prm['centers'], ((0, 5), (0, 0)))
    l1b = jnp.broadcast_to(prm['l1b'][None, :], (8, 2 * nc))
    l2b = jnp.broadcast_to(prm['l2b'][None, :], (8, nc))
    l3b = jnp.broadcast_to(prm['l3b'][None, :], (8, nc))
    r1m = jnp.repeat(jnp.eye(nc, dtype=jnp.float32), C, axis=1)
    r2m = jnp.tile(jnp.eye(C, dtype=jnp.float32), (1, nc))
    w2p = jnp.swapaxes(prm['weight'], 0, 1).reshape(JC, cout)

    def body(g_ref, q_ref, cen_ref, w1_ref, b1_ref, w2_ref, b2_ref,
             w3_ref, b3_ref, r1_ref, r2_ref, w2p_ref, o_ref):
        gg = g_ref[...]
        qq = q_ref[...]
        qrep = jnp.broadcast_to(qq[:, None, :], (TM, K, 3)).reshape(RK, 3)
        rel = gg[:, 0:3] - qrep
        blocks = [rel[:, d:d + 1] - cen_ref[d:d + 1, :] for d in range(3)]
        dmat = jnp.concatenate(blocks, axis=1)
        h = jnp.maximum(_dot(dmat, w1_ref[...]) + b1_ref[0:1, :], 0.0)
        h = jnp.maximum(_dot(h, w2_ref[...]) + b2_ref[0:1, :], 0.0)
        h = jnp.maximum(_dot(h, w3_ref[...]) + b3_ref[0:1, :], 0.0)
        fg = gg[:, 3:3 + C]
        h2 = _dot(_bf(h), r1_ref[...])
        fg2 = _dot(_bf(fg), r2_ref[...])
        f2 = jnp.sum((h2 * fg2).reshape(TM, K, JC), axis=1)
        o_ref[...] = _dot(_bf(f2), w2p_ref[...]) * (1.0 / K)

    full = lambda a: pl.BlockSpec(a.shape, lambda i: (0,) * a.ndim)
    return pl.pallas_call(
        body,
        grid=(rows // TM,),
        in_specs=[
            pl.BlockSpec((RK, D), lambda i: (i, 0)),
            pl.BlockSpec((TM, 3), lambda i: (i, 0)),
            full(cen), full(prm['l1w']), full(l1b),
            full(prm['l2w']), full(l2b),
            full(prm['l3w']), full(l3b), full(r1m), full(r2m), full(w2p),
        ],
        out_specs=pl.BlockSpec((TM, cout), lambda i: (i, 0)),
        out_shape=jax.ShapeDtypeStruct((rows, cout), jnp.float32),
        interpret=_INTERPRET,
    )(g, q, cen, prm['l1w'], l1b, prm['l2w'], l2b, prm['l3w'], l3b,
      r1m, r2m, w2p)


def _compute_fused(idx, queries, table, prm, K, C):
    B, M, _ = queries.shape
    N = table.shape[1]
    CC = 3 + C
    nc = _NC
    JC = nc * C
    TM = min(M, 256 if N <= 256 else 128,
             max(8, 1 << (6_000_000 // (K * JC)).bit_length() - 1))
    RK = TM * K
    cout = prm['weight'].shape[2]

    cen = jnp.pad(prm['centers'], ((0, 5), (0, 0)))
    l1b = jnp.broadcast_to(prm['l1b'][None, :], (8, 2 * nc))
    l2b = jnp.broadcast_to(prm['l2b'][None, :], (8, nc))
    l3b = jnp.broadcast_to(prm['l3b'][None, :], (8, nc))
    r1m = jnp.repeat(jnp.eye(nc, dtype=jnp.float32), C, axis=1)
    r2m = jnp.tile(jnp.eye(C, dtype=jnp.float32), (1, nc))
    w2p = jnp.swapaxes(prm['weight'], 0, 1).reshape(JC, cout)

    def body(idx_ref, q_ref, t_ref, cen_ref, w1_ref, b1_ref, w2_ref, b2_ref,
             w3_ref, b3_ref, r1_ref, r2_ref, w2p_ref, o_ref):
        b = pl.program_id(0)
        idxl = idx_ref[0] - b * N
        tb = t_ref[0]
        ii = jax.lax.broadcasted_iota(jnp.int32, (RK, N), 1)
        oh = jnp.where(ii == idxl, 1.0, 0.0)
        coords = jax.lax.dot_general(oh, tb[:, 0:3], (((1,), (0,)), ((), ())),
                                     precision=_HIGH,
                                     preferred_element_type=jnp.float32)
        feats = _dot(oh, tb[:, 3:CC])
        qq = q_ref[0]
        qrep = jnp.broadcast_to(qq[:, None, :], (TM, K, 3)).reshape(RK, 3)
        rel = coords - qrep
        blocks = [rel[:, d:d + 1] - cen_ref[d:d + 1, :] for d in range(3)]
        dmat = jnp.concatenate(blocks, axis=1)
        h = jnp.maximum(_dot(dmat, w1_ref[...]) + b1_ref[0:1, :], 0.0)
        h = jnp.maximum(_dot(h, w2_ref[...]) + b2_ref[0:1, :], 0.0)
        h = jnp.maximum(_dot(h, w3_ref[...]) + b3_ref[0:1, :], 0.0)
        h2 = _dot(_bf(h), r1_ref[...])
        fg2 = _dot(_bf(feats), r2_ref[...])
        f2 = jnp.sum((h2 * fg2).reshape(TM, K, JC), axis=1)
        o_ref[0] = _dot(_bf(f2), w2p_ref[...]) * (1.0 / K)

    full = lambda a: pl.BlockSpec(a.shape, lambda b, i: (0,) * a.ndim)
    return pl.pallas_call(
        body,
        grid=(B, M // TM),
        in_specs=[
            pl.BlockSpec((1, RK, 1), lambda b, i: (b, i, 0)),
            pl.BlockSpec((1, TM, 3), lambda b, i: (b, i, 0)),
            pl.BlockSpec((1, N, CC), lambda b, i: (b, 0, 0)),
            full(cen), full(prm['l1w']), full(l1b),
            full(prm['l2w']), full(l2b),
            full(prm['l3w']), full(l3b), full(r1m), full(r2m), full(w2p),
        ],
        out_specs=pl.BlockSpec((1, TM, cout), lambda b, i: (b, i, 0)),
        out_shape=jax.ShapeDtypeStruct((B, M, cout), jnp.float32),
        interpret=_INTERPRET,
    )(idx.reshape(B, M * K, 1), queries, table, cen, prm['l1w'], l1b,
      prm['l2w'], l2b, prm['l3w'], l3b, r1m, r2m, w2p)


def _bn_relu(x):
    B, M, C = x.shape
    x2 = x.reshape(B * M, C)

    def body(x_ref, o_ref):
        v = x_ref[...]
        mean = jnp.mean(v, axis=0, keepdims=True)
        xc = v - mean
        var = jnp.mean(xc * xc, axis=0, keepdims=True)
        o_ref[...] = jnp.maximum(xc / jnp.sqrt(var + 1e-5), 0.0)

    out = pl.pallas_call(
        body,
        out_shape=jax.ShapeDtypeStruct(x2.shape, jnp.float32),
        interpret=_INTERPRET,
    )(x2)
    return out.reshape(B, M, C)


def _classifier(x, w, b):
    B, M, C = x.shape
    x2 = x.reshape(B * M, C)
    cout = w.shape[1]
    b2 = jnp.broadcast_to(b[None, :], (8, cout))
    TM = min(B * M, 8192)

    def body(x_ref, w_ref, b_ref, o_ref):
        o_ref[...] = _dot(x_ref[...], w_ref[...]) + b_ref[0:1, :]

    out = pl.pallas_call(
        body,
        grid=((B * M) // TM,),
        in_specs=[
            pl.BlockSpec((TM, C), lambda i: (i, 0)),
            pl.BlockSpec(w.shape, lambda i: (0, 0)),
            pl.BlockSpec(b2.shape, lambda i: (0, 0)),
        ],
        out_specs=pl.BlockSpec((TM, cout), lambda i: (i, 0)),
        out_shape=jax.ShapeDtypeStruct((B * M, cout), jnp.float32),
        interpret=_INTERPRET,
    )(x2, w, b2)
    return out.reshape(B, M, cout)


def _ptconv(prm, feats, points, K, next_pts):
    B, N, C = feats.shape
    if isinstance(next_pts, int):
        if points.shape[1] != next_pts:
            stride = points.shape[1] // next_pts
            queries = points[:, ::stride, :][:, :next_pts, :]
        else:
            queries = points
    else:
        queries = next_pts
    M = queries.shape[1]

    idx = _knn(points, queries, K)
    if N <= 1024 and B * M * K * N <= 100_000_000:
        table3 = jnp.concatenate([points, feats], axis=2)
        out = _compute_fused(idx, queries, table3, prm, K, C)
        return out, queries
    D = _round_up(3 + C, 128)
    table = jnp.concatenate([points, feats], axis=2).reshape(B * N, 3 + C)
    if D > 3 + C:
        table = jnp.pad(table, ((0, 0), (0, D - (3 + C))))
    g = _sc_gather(table, idx.reshape(-1, 128))
    out = _compute(g, queries.reshape(B * M, 3), prm, K, C, D)
    return out.reshape(B, M, -1), queries


def kernel(x, input_pts, params):
    P = params
    x2, pts2 = _ptconv(P['cv2'], x, input_pts, 16, 1024)
    x2 = _bn_relu(x2)
    x3, pts3 = _ptconv(P['cv3'], x2, pts2, 16, 256)
    x3 = _bn_relu(x3)
    x4, pts4 = _ptconv(P['cv4'], x3, pts3, 8, 64)
    x4 = _bn_relu(x4)
    x5, pts5 = _ptconv(P['cv5'], x4, pts4, 8, 16)
    x5 = _bn_relu(x5)
    x6, pts6 = _ptconv(P['cv6'], x5, pts5, 4, 8)
    x6 = _bn_relu(x6)
    x5d, _ = _ptconv(P['cv5d'], x6, pts6, 4, pts5)
    x5d = _bn_relu(x5d)
    x5d = jnp.concatenate([x5d, x5], axis=2)
    x4d, _ = _ptconv(P['cv4d'], x5d, pts5, 4, pts4)
    x4d = _bn_relu(x4d)
    x4d = jnp.concatenate([x4d, x4], axis=2)
    x3d, _ = _ptconv(P['cv3d'], x4d, pts4, 4, pts3)
    x3d = _bn_relu(x3d)
    x3d = jnp.concatenate([x3d, x3], axis=2)
    x2d, _ = _ptconv(P['cv2d'], x3d, pts3, 8, pts2)
    x2d = _bn_relu(x2d)
    x2d = jnp.concatenate([x2d, x2], axis=2)
    x1d, _ = _ptconv(P['cv1d'], x2d, pts2, 8, input_pts)
    x1d = _bn_relu(x1d)
    return _classifier(x1d, P['fcout_w'], P['fcout_b'])

# --- scband reference (transcript-rebuilt; emitter-appended) ---
"""Pipeline reference for scband-seg-small-46497315947168 (READ-ONLY COPY).

The authoritative reference and input builder live on the scoring server;
editing this copy changes nothing except your own understanding.
"""

import jax, jax.numpy as jnp
import numpy as np
import math


def _ptconv_params(rng, cin, cout, nc=16, dim=3):
    bound = math.sqrt(3.0) * math.sqrt(2.0 / (cin + cout))
    weight = rng.uniform(-bound, bound, size=(cin, nc, cout)).astype(np.float32)
    centers = np.zeros((dim, nc), dtype=np.float32)
    for i in range(nc):
        c = rng.uniform(-1.0, 1.0, size=dim)
        while (c ** 2).sum() > 1.0:
            c = rng.uniform(-1.0, 1.0, size=dim)
        centers[:, i] = c
    def lin(fan_in, fan_out):
        b = 1.0 / math.sqrt(fan_in)
        return (rng.uniform(-b, b, size=(fan_in, fan_out)).astype(np.float32),
                rng.uniform(-b, b, size=(fan_out,)).astype(np.float32))
    l1w, l1b = lin(dim * nc, 2 * nc)
    l2w, l2b = lin(2 * nc, nc)
    l3w, l3b = lin(nc, nc)
    return {'weight': jnp.asarray(weight), 'centers': jnp.asarray(centers),
            'l1w': jnp.asarray(l1w), 'l1b': jnp.asarray(l1b),
            'l2w': jnp.asarray(l2w), 'l2b': jnp.asarray(l2b),
            'l3w': jnp.asarray(l3w), 'l3b': jnp.asarray(l3b)}


def _knn(points, queries, K):
    # brute-force exact KNN: points [B,N,d], queries [B,M,d] -> idx [B,M,K]
    d2 = (jnp.sum(queries ** 2, -1)[:, :, None]
          - 2.0 * jnp.einsum('bmd,bnd->bmn', queries, points)
          + jnp.sum(points ** 2, -1)[:, None, :])
    _, idx = jax.lax.top_k(-d2, K)
    return idx


def _gather(arr, idx):
    # arr [B,N,C], idx [B,M,K] -> [B,M,K,C]
    return jax.vmap(lambda a, i: a[i])(arr, idx)


def _ptconv(p, feats, points, K, next_pts):
    if isinstance(next_pts, int):
        if points.shape[1] != next_pts:
            stride = points.shape[1] // next_pts
            queries = points[:, ::stride, :][:, :next_pts, :]
        else:
            queries = points
    else:
        queries = next_pts
    idx = _knn(points, queries, K)
    fg = _gather(feats, idx)            # [B,M,K,C]
    pg = _gather(points, idx)           # [B,M,K,3]
    rel = pg - queries[:, :, None, :]
    B, M, Kk, _ = rel.shape
    d = rel[..., None] - p['centers'][None, None, None, :, :]   # [B,M,K,dim,nc]
    d = d.reshape(B, M, Kk, -1)
    d = jax.nn.relu(d @ p['l1w'] + p['l1b'])
    d = jax.nn.relu(d @ p['l2w'] + p['l2b'])
    d = jax.nn.relu(d @ p['l3w'] + p['l3b'])                    # [B,M,K,nc]
    f = jnp.einsum('bmkc,bmkn->bmcn', fg, d)                    # [B,M,C,nc]
    f = f.reshape(B, M, -1) @ p['weight'].reshape(-1, p['weight'].shape[2])
    f = f / Kk
    return f, queries


def _bn_relu(x):
    # BatchNorm1d (training-mode batch stats, gamma=1, beta=0) over channel dim
    mean = jnp.mean(x, axis=(0, 1), keepdims=True)
    var = jnp.mean((x - mean) ** 2, axis=(0, 1), keepdims=True)
    return jax.nn.relu((x - mean) / jnp.sqrt(var + 1e-5))


def _forward(x, input_pts, params):
    x2, pts2 = _ptconv(params['cv2'], x, input_pts, 16, 1024); x2 = _bn_relu(x2)
    x3, pts3 = _ptconv(params['cv3'], x2, pts2, 16, 256); x3 = _bn_relu(x3)
    x4, pts4 = _ptconv(params['cv4'], x3, pts3, 8, 64); x4 = _bn_relu(x4)
    x5, pts5 = _ptconv(params['cv5'], x4, pts4, 8, 16); x5 = _bn_relu(x5)
    x6, pts6 = _ptconv(params['cv6'], x5, pts5, 4, 8); x6 = _bn_relu(x6)
    x5d, _ = _ptconv(params['cv5d'], x6, pts6, 4, pts5); x5d = _bn_relu(x5d)
    x5d = jnp.concatenate([x5d, x5], axis=2)
    x4d, _ = _ptconv(params['cv4d'], x5d, pts5, 4, pts4); x4d = _bn_relu(x4d)
    x4d = jnp.concatenate([x4d, x4], axis=2)
    x3d, _ = _ptconv(params['cv3d'], x4d, pts4, 4, pts3); x3d = _bn_relu(x3d)
    x3d = jnp.concatenate([x3d, x3], axis=2)
    x2d, _ = _ptconv(params['cv2d'], x3d, pts3, 8, pts2); x2d = _bn_relu(x2d)
    x2d = jnp.concatenate([x2d, x2], axis=2)
    x1d, _ = _ptconv(params['cv1d'], x2d, pts2, 8, input_pts); x1d = _bn_relu(x1d)
    # dropout is identity in eval; final pointwise classifier
    out = x1d @ params['fcout_w'] + params['fcout_b']
    return out


def setup_inputs(seed: int = 0) -> dict:
    key = jax.random.key(seed)
    k1, k2 = jax.random.split(key)
    B, N, Cin = 4, 8192, 3
    x = jax.random.normal(k1, (B, N, Cin), dtype=jnp.float32)
    input_pts = jax.random.uniform(k2, (B, N, 3), dtype=jnp.float32)
    rng = np.random.default_rng(0)
    pl = 48
    specs = {'cv2': (Cin, pl), 'cv3': (pl, pl), 'cv4': (pl, 2 * pl),
             'cv5': (2 * pl, 2 * pl), 'cv6': (2 * pl, 2 * pl),
             'cv5d': (2 * pl, 2 * pl), 'cv4d': (4 * pl, 2 * pl),
             'cv3d': (4 * pl, pl), 'cv2d': (2 * pl, pl), 'cv1d': (2 * pl, pl)}
    params = {name: _ptconv_params(rng, ci, co) for name, (ci, co) in specs.items()}
    b = 1.0 / math.sqrt(pl)
    params['fcout_w'] = jnp.asarray(rng.uniform(-b, b, size=(pl, 13)).astype(np.float32))
    params['fcout_b'] = jnp.asarray(rng.uniform(-b, b, size=(13,)).astype(np.float32))
    return {'x': x, 'input_pts': input_pts, 'params': params}


def reference(x, input_pts, params):
    return _forward(x, input_pts, params)

if __name__ == "__main__":
    import jax
    _d = setup_inputs()
    print(jax.jit(kernel)(*tuple(_d.values())))

</pallas_src>

<mosaic_0001>
module attributes {stable_mosaic.version = 14 : i64} {
  func.func @body(%arg0: i32, %arg1: memref<8192x48xf32, #tpu.memory_space<vmem>>, %arg2: memref<48x13xf32, #tpu.memory_space<vmem>>, %arg3: memref<8x13xf32, #tpu.memory_space<vmem>>, %arg4: memref<8192x13xf32, #tpu.memory_space<vmem>>) attributes {dimension_semantics = [#tpu.dimension_semantics<arbitrary>], iteration_bounds = array<i64: 4>, scalar_prefetch = 0 : i64, scratch_operands = 0 : i64, tpu.core_type = #tpu.core_type<tc>, window_params = [{transform_indices = @transform_0, window_bounds = array<i64: 8192, 48>}, {pipeline_mode = #tpu.pipeline_mode<synchronous>, transform_indices = @transform_1, window_bounds = array<i64: 48, 13>}, {pipeline_mode = #tpu.pipeline_mode<synchronous>, transform_indices = @transform_2, window_bounds = array<i64: 8, 13>}, {transform_indices = @transform_3, window_bounds = array<i64: 8192, 13>}]} {
    %get3A = arith.constant 0 : index
    %get3A_0 = arith.constant 0 : index
    %get3A_1 = vector.load %arg1[%get3A, %get3A_0] : memref<8192x48xf32, #tpu.memory_space<vmem>>, vector<8192x48xf32>
    %get3A_2 = arith.constant 0 : index
    %get3A_3 = arith.constant 0 : index
    %get3A_4 = vector.load %arg2[%get3A_2, %get3A_3] : memref<48x13xf32, #tpu.memory_space<vmem>>, vector<48x13xf32>
    %dot_general3A = arith.constant dense<0.000000e+00> : vector<8192x13xf32>
    %dot_general3A_5 = tpu.matmul %get3A_1, %get3A_4, %dot_general3A {dimension_numbers = #tpu.dot_dimension_numbers<[1], [0], [0], [1], [0, 0, 1, 1], [], []>, transpose_lhs_hint = false} : vector<8192x48xf32>, vector<48x13xf32>, vector<8192x13xf32> -> vector<8192x13xf32>
    %get3A_6 = arith.constant 0 : index
    %get3A_7 = arith.constant 0 : index
    %get3A_8 = vector.load %arg3[%get3A_6, %get3A_7] : memref<8x13xf32, #tpu.memory_space<vmem>>, vector<1x13xf32>
    %add3A = vector.broadcast %get3A_8 : vector<1x13xf32> to vector<8192x13xf32>
    %add3A_9 = arith.addf %dot_general3A_5, %add3A : vector<8192x13xf32>
    %swap3A = arith.constant 0 : index
    %swap3A_10 = arith.constant 0 : index
    %swap3A_11 = vector.load %arg4[%swap3A, %swap3A_10] : memref<8192x13xf32, #tpu.memory_space<vmem>>, vector<8192x13xf32>
    tpu.vector_store %arg4[%swap3A, %swap3A_10], %add3A_9 {strides = array<i32>} : memref<8192x13xf32, #tpu.memory_space<vmem>>, vector<8192x13xf32>,
    return
  }
  func.func @transform_0(%arg0: i32) -> (i32, i32) {
    %c0_i32 = arith.constant 0 : i32
    %c0_i32_0 = arith.constant 0 : i32
    return %arg0, %c0_i32 : i32, i32
  }
  func.func @transform_1(%arg0: i32) -> (i32, i32) {
    %c0_i32 = arith.constant 0 : i32
    %c0_i32_0 = arith.constant 0 : i32
    %c0_i32_1 = arith.constant 0 : i32
    return %c0_i32, %c0_i32_0 : i32, i32
  }
  func.func @transform_2(%arg0: i32) -> (i32, i32) {
    %c0_i32 = arith.constant 0 : i32
    %c0_i32_0 = arith.constant 0 : i32
    %c0_i32_1 = arith.constant 0 : i32
    return %c0_i32, %c0_i32_0 : i32, i32
  }
  func.func @transform_3(%arg0: i32) -> (i32, i32) {
    %c0_i32 = arith.constant 0 : i32
    %c0_i32_0 = arith.constant 0 : i32
    return %arg0, %c0_i32 : i32, i32
  }
}

</mosaic_0001>

<sc_bundles>
// kernel: sparse-core-data-format-call.1.cloned.1.call-start
scs
called_computation.1_lowered:
.L_overlay_start_0:
0x0: {  	s1 =	sld [smem:$0x3FD9]  }
0x1: {  	s2 =	sld [smem:$0x3FFE];
	_ =	sdelay $0x1  }
0x2: {  	s3 =	srdreg.scid  }
0x3: {  	s0 =	sand.u32 $0x1, s3  }
0x4: {  	s17 =	sshll.u32 s0, $0xA;
	s1 =	sadd.s32 s2, s1  }
0x5: {  	s1 =	sadd.s32 s1, s17  }
0x6: {  	[smem:$0x3F74] =	sst s1  }
0x7: {  	_ = 	snop  }
0x8: {  	(tm) =	ssettm $0x1  }
0x9: {  	s18 =	sld [smem:$0x3FFB];
	_ =	sdelay $0x3  }
0xa: {  	_ =	strace s18  }
0xb: {  	s1 =	sld [smem:$0x3FFC];
	_ =	sdelay $0x3  }
0xc: {  	_ =	strace s1  }
0xd: {  	s1 =	sld [smem:$0x3FFD];
	_ =	sdelay $0x3  }
0xe: {  	_ =	strace s1  }
0xf: {  	_ =	strace $0x8FFFFFFF  }
0x10: {  	s19 =	sld [smem:$0x3FDB];
	_ =	sdelay $0x1  }
0x11: {  	s20 =	simm.s32 $_scs_section_size  }
0x12: {  	s4 =	simm.s32 $_size__tile_overlayer_lowered;
	s5 =	simm.s32 $_tile_overlayer_lowered  }
0x13: {  	s23 =	simm.s32 $0x1BFF;
	s22 =	sshll.u32 s5, $0x1;
	s1 =	sadd.s32 s20, s19  }
0x14: {  	s6 =	simm.s32 $0x0;
	s21 =	sshll.u32 s4, $0x1;
	s4 =	sadd.s32 s22, s1  }
0x15: {  	[timem:s6], [sflag:s23] =	dma.local [hbm:s4], s21  }
0x16: {  	_ =	swait.ge [sflag:s23], s21  }
0x17: {  	s2 =	ssub.s32 $0x0, s21;
	[sflag:s23] =	ssyncset.done $0x0  }
0x18: {  	[sflag:s23] =	ssyncadd.s32 s2;
	_ =	sdelay $0x1  }
0x19: {  	s24 =	simm.s32 $0x1B8B  }
0x1a: {  	_ =	swait.ge [sflag:s24], $0x1  }
0x1b: {  	[sflag:s24] =	ssyncset.done $0x0  }
0x1c: {  	s26 =	simm.s32 $0x1B8E;
	s25 =	sld [smem:$0x3FFE];
	[sflag:s24] =	ssyncadd.s32 $0xFFFFFFFF  }
0x1d: {  	s27 =	simm.s32 $execute0_lowered;
	[smem:$0x3FD2] =	sst s26  }
0x1e: {  	s4 =	sshll.u32 s27, $0x1;
	_ =	strace $0x80000046;
	[dreg:$0x1] =	wrdreg $0xFFFFFFFF  }
0x1f: {  	s28 =	simm.s32 $_size_execute0_lowered;
	s1 =	sadd.s32 s1, s4;
	[dreg:$0x0] =	wrdreg $0x0  }
0x20: {  	s4 =	sshll.u32 s28, $0x1;
	[dreg:$0x2] =	wrdreg s1  }
0x21: {  	[dreg:$0x3] =	wrdreg s4  }
0x22: {  	[dreg:$0x4] =	wrdreg $0xC0  }
0x23: {  	_ =	task [dreg:s6], $0x5FFFF  }
0x24: {  	[dreg:$0x1] =	wrdreg $0xFFFFFFFF  }
0x25: {  	[dreg:$0x0] =	wrdreg $0x60  }
0x26: {  	[dreg:$0x2] =	wrdreg s25  }
0x27: {  	[dreg:$0x3] =	wrdreg $0xA  }
0x28: {  	_ =	task.clear_ibuf [dreg:s6], $0x4FFFF;
	_ =	strace $0x90000046  }
0x29: {  	s29 =	simm.s32 $0xA;
	_ =	strace $0x80000048  }
0x2a: {  	_ =	swait.ge [sflag:s29], $0x1  }
0x2b: {  	[sflag:s29] =	ssyncadd.s32 $0xFFFFFFFF  }
0x2c: {  	_ =	strace $0x90000048  }
0x2d: {  	_ =	sfence  }
0x2e: {  	s30 =	sld [smem:$0x0];
	_ =	sdelay $0x2  }
0x2f: {  	s31 =	sshll.u32 s3, $0xD;
	s3 =	sshrl.u32 s3, $0x2  }
0x30: {  	s2 =	sand.u32 $0x4000, s31;
	s1 =	sadd.s32 s3, s30  }
0x31: {  	s0 =	sor.u32 s2, s0;
	s1 =	sshll.u32 s1, $0x11  }
0x32: {  	s0 =	sor.u32 s1, s0  }
0x33: {  	s0 =	sadd.s32 $0x8F2B, s0  }
0x34: {  	[sflag:s0] =	ssyncadd.remote.s32 $0x1  }
0x35: {  	_ =	sfence.sel $0xFFFF  }
0x36: {  	[dreg:$0x0] =	wrdreg $0xFFFFFFFF;
	(pc) =	sbr.abs _section_cstart, $3  }
0x37: {  	[dreg:$0x1] =	wrdreg $0xFFFFFFFF  }
0x38: {  	_ =	task.clear_ibuf [dreg:s6], $0x2FFFF;
	_ =	strace $0x9FFFFFFF  }
0x39: {  	(tm) =	ssettm $0x7FFFFFFF  }
tec
execute0_lowered:
.L_overlay_start_1:
0x0: {  	(tag) =	ssettag $0x1  }
0x1: {  	s0 =	stileid.u32;
	s1 =	srdreg.scid  }
0x2: {  	s4 =	rddreg [dreg:$0x0];
	s7 =	simm.s32 $0x1;
	s31 =	simm.s32 $0x2  }
0x3: {  	s16 =	simm.s32 $0x0;
	s2 =	sshll.u32 s0, $0x5;
	s1 =	sshll.u32 s1, $0x9  }
0x4: {  	s9 =	simm.s32 $0x2000;
	s14 =	simm.s32 $0x0;
	s1 =	sor.u32 s2, s1  }
0x5: {  	s15 =	simm.s32 $0x0;
	s10 =	simm.s32 $0x0;
	s2 =	sand.u32 $0x380, s1  }
0x6: {  	s13 =	simm.s32 $0x0;
	s3 =	sadd.s32 $0x80800, s4;
	s5 =	ssub.s32 $0x400, s2  }
0x7: {  	s4 =	sadd.s32 $0x480800, s4;
	s1 =	rddreg [dreg:$0x1];
	s6 =	sand.u32 $0x380, s5  }
.Ltmp0:
0x8: {  	_ =	strace $0x80000047;
	p0 =	sne.s32 s6, $0x0;
	(pc) =	sbr.rel .LBB1_1-.Ltmp0, $4  }
0x9: {  	s11 =	smov.u32 s2;
	s8 =	sshrl.u32 s5, $0xA;
	s7 =	simm.s32 @!p0 $0x0  }
0xa: {  	s5 =	sand.u32 $0x3, s0;
	s6 =	simm.s32 $0x1;
	s7 =	sadd.s32 s7, s8  }
0xb: {  	s12 =	smov.u32 s5;
	[sflag:s6] =	ssyncpa.u1 $0x0;
	s7 =	sshll.u32 s7, $0x6  }
0xc: {  	p0 =	por $0x0, $0x0;
	[sflag:s31] =	ssyncpa.u1 $0x0;
	s8 =	sor.u32 $0x1, s7  }
.LBB1_4:
0xd: {  	v5 =	vld [tilespmem:s20+$0xFFFFFFD0];
	[tilespmem:s19+$0x2040 ss:$0x81] =	vst.msk $0xffff, v1  }
0xe: {  	v58 =	vld [tilespmem:s20+$0xFFFFFFE0];
	[tilespmem:s19+$0x2850 ss:$0x81] =	vst.msk $0xffff, v2  }
0xf: {  	s21 =	sshra.s32 s21, $0x2;
	v59 =	vld [tilespmem:s20+$0xFFFFFFF0];
	[tilespmem:s19+$0x3060 ss:$0x81] =	vst.msk $0xffff, v3  }
0x10: {  	v60 =	vld [tilespmem:s20+$0x0];
	[tilespmem:s19+$0x0 ss:$0x81] =	vst.msk $0xffff, v0;
	s18 =	sadd.s32 s21, s18  }
0x11: {  	v61 =	vld [tilespmem:s20+$0x10];
	[tilespmem:s18+$0x3870 ss:$0x81] =	vst.msk $0xffff, v4  }
0x12: {  	v62 =	vld [tilespmem:s20+$0x20];
	s26 =	sshll.u32 s16, $0xA;
	s27 =	sshll.u32 s14, $0x3;
	[tilespmem:s18+$0x810 ss:$0x81] =	vst.msk $0xffff, v5  }
0x13: {  	v63 =	vld [tilespmem:s20+$0xFFFFFFC0];
	s29 =	sshll.u32 s16, $0x7;
	s30 =	sand.u32 $0x78, s14;
	s15 =	sshll.u32 s15, $0x14;
	[tilespmem:s18+$0x1020 ss:$0x81] =	vst.msk $0xffff, v58  }
0x14: {  	s19 =	sand.u32 $0x7FE000, s26;
	s28 =	sand.u32 $0x7FFC00, s27;
	s16 =	sand.u32 $0x380, s29;
	[tilespmem:s18+$0x1830 ss:$0x81] =	vst.msk $0xffff, v59  }
0x15: {  	s31 =	sand.u32 $0x7, s14;
	s19 =	sadd.s32 s28, s19;
	s16 =	sor.u32 s30, s16;
	[tilespmem:s18+$0x2040 ss:$0x81] =	vst.msk $0xffff, v60  }
0x16: {  	s15 =	sadd.s32 s4, s15;
	s19 =	sshrl.u32 s19, $0x3;
	s16 =	sshrl.u32 s16, $0x3;
	[tilespmem:s18+$0x2850 ss:$0x81] =	vst.msk $0xffff, v61  }
0x17: {  	s14 =	sshll.u32 s31, $0x12;
	s19 =	sand.u32 $0xFFF80, s19;
	s15 =	sadd.s32 s16, s15;
	[tilespmem:s18+$0x3060 ss:$0x81] =	vst.msk $0xffff, v62  }
0x18: {  	s14 =	sor.u32 $0x400, s14;
	[tilespmem:s18+$0x0 ss:$0x81] =	vst.msk $0xffff, v63;
	s15 =	sadd.s32 s19, s15  }
0x19: {  	[hbm4b:s15+s14] =	stream.strided.scatter [tilespmem:s17], [sflag:$0x2], $0x4000, s9, s14, $0x20;
	[tilespmem:$0x10100] =	vst v63  }
.LBB1_5:
0x1a: {  	s17 =	sadd.s32 $0x80, s10  }
0x1b: {  	s14 =	sadd.s32 $0x400, s11;
	s18 =	smov.u32 s11;
	p2 =	sgt.s32 s17, $0x1FFF  }
0x1c: {  	s18 =	smov.u32 @p2 s14  }
0x1d: {  	s20 =	smov.u32 s12;
	s14 =	sadd.s32 $0x4, s12;
	p3 =	sgt.s32 s18, $0x3FF  }
0x1e: {  	s20 =	smov.u32 @p3 s14  }
0x1f: {  	s17 =	simm.s32 @p2 $0x0;
	p2 =	sgt.s32 s20, $0x3  }
0x20: {  	p1 =	slt.u32 s13, $0x2;
	s20 =	smov.u32 @p2 s5;
	p2 =	sne.s32 s13, s8  }
.Ltmp1:
0x21: {  	s19 =	simm.s32 @!p1 $0x2;
	(pc) =	sbr.rel @!p2 .LBB1_6-.Ltmp1, $4  }
0x22: {  	s16 =	smov.u32 s10;
	s15 =	smov.u32 s12;
	_ =	swait.ge @!p1 [sflag:s19], $0x4000  }
0x23: {  	p0 =	por !p0, !p0;
	[sflag:s19] =	ssyncset.done @!p1 $0x0;
	s10 =	smov.u32 s17  }
0x24: {  	s18 =	smov.u32 @p3 s2;
	s14 =	smov.u32 s11;
	[sflag:s19] =	ssyncadd.s32 @!p1 $0xFFFFC000  }
0x25: {  	s11 =	smov.u32 s18;
	s13 =	sadd.s32 $0x1, s13;
	s12 =	smov.u32 s20  }
.LBB1_1:
0x26: {  	p1 =	sge.u32 s13, s7;
	s31 =	sadd.s32 $0xFFFFFFFF, s13  }
0x27: {  	s17 =	sxor.u32 @!p1 $0xFFFFFFFF, s13;
	s18 =	sand.u32 @!p1 $0x78, s10;
	s19 =	sshll.u32 @!p1 s11, $0xD  }
0x28: {  	s20 =	sshll.u32 @!p1 s11, $0x7;
	s21 =	sshll.u32 @!p1 s10, $0x3;
	s17 =	sshll.u32 @!p1 s17, $0xE  }
0x29: {  	s19 =	sand.u32 @!p1 $0x7F0000, s19;
	s20 =	sand.u32 @!p1 $0x380, s20;
	s17 =	sand.u32 @!p1 $0x4000, s17  }
0x2a: {  	s19 =	sadd.s32 @!p1 s19, s21;
	s21 =	sand.u32 @!p1 $0x1C00, s21;
	s18 =	sor.u32 @!p1 s20, s18  }
0x2b: {  	s20 =	sshll.u32 @!p1 s12, $0x14;
	s18 =	sor.u32 @!p1 s21, s18;
	s19 =	sshrl.u32 @!p1 s19, $0x3  }
0x2c: {  	s20 =	sadd.s32 @!p1 s3, s20;
	s21 =	sand.u32 @!p1 $0x7, s10;
	s19 =	sand.u32 @!p1 $0xFFC00, s19  }
0x2d: {  	s18 =	sshrl.u32 @!p1 s18, $0x3;
	s19 =	sadd.s32 @!p1 s19, s20;
	s20 =	sshll.u32 @!p1 s21, $0x12  }
0x2e: {  	s18 =	sadd.s32 @!p1 s18, s19;
	s19 =	sor.u32 @!p1 $0x400, s20;
	s20 =	simm.s32 @!p1 $0x10000  }
0x2f: {  	[tilespmem:s17], [sflag:$0x1] =	stream.strided.gather @!p1 [hbm4b:s18+s19], $0x4000, s20, s19, $0x38;
	[tilespmem:$0x10100] =	vst v63  }
0x30: {  	p1 =	sge.u32 s31, s7  }
.Ltmp2:
0x31: {  	_ = 	snop;
	(pc) =	sbr.rel @p1 .LBB1_5-.Ltmp2, $1  }
0x32: {  	_ =	sdelay $0x3  }
0x33: {  	s17 =	simm.s32 $0x1  }
0x34: {  	_ =	swait.ge [sflag:s6], $0x4000;
	s17 =	simm.s32 @!p0 $0x0  }
0x35: {  	[sflag:s6] =	ssyncset.done $0x0;
	s18 =	sshll.u32 s17, $0xE  }
0x36: {  	[sflag:s6] =	ssyncadd.s32 $0xFFFFC000;
	s20 =	sor.u32 $0x40, s18  }
0x37: {  	s17 =	smul.u32 $0x10200, s17;
	v0 =	vld [tilespmem:s20+$0x30]  }
0x38: {  	v3 =	vld [tilespmem:s20+$0xFFFFFFD0]  }
0x39: {  	s17 =	sshrl.u32 s17, $0x2;
	v4 =	vld [tilespmem:s20+$0xFFFFFFE0]  }
0x3a: {  	v5 =	vld [tilespmem:s20+$0xFFFFFFF0];
	s18 =	sor.u32 $0x8000, s17  }
0x3b: {  	s31 =	sand.u32 $0x1, s13;
	v1 =	vld [tilespmem:s20+$0x0];
	s19 =	sadd.s32 $0x0, s18  }
0x3c: {  	v2 =	vld [tilespmem:s20+$0x10];
	s17 =	smul.u32 $0x10200, s31;
	[tilespmem:s19+$0x3870 ss:$0x81] =	vst.msk $0xffff, v0  }
0x3d: {  	[tilespmem:s19+$0x810 ss:$0x81] =	vst.msk $0xffff, v3;
	v3 =	vld [tilespmem:s20+$0x20]  }
0x3e: {  	s17 =	sshrl.u32 s17, $0x2;
	v0 =	vld [tilespmem:s20+$0xFFFFFFC0];
	[tilespmem:s19+$0x1020 ss:$0x81] =	vst.msk $0xffff, v4;
	s20 =	sadd.s32 $0x80, s20  }
0x3f: {  	s21 =	simm.s32 $0x4;
	s22 =	simm.s32 $0x8;
	s17 =	sor.u32 $0x8000, s17;
	[tilespmem:s19+$0x1830 ss:$0x81] =	vst.msk $0xffff, v5;
	v4 =	vld [tilespmem:s20+$0x30]  }
.LBB1_3:
0x40: {  	p1 =	sne.s32 s22, $0x1FC;
	v5 =	vld [tilespmem:s20+$0xFFFFFFD0];
	[tilespmem:s19+$0x2040 ss:$0x81] =	vst.msk $0xffff, v1  }
0x41: {  	v6 =	vld [tilespmem:s20+$0xFFFFFFE0];
	[tilespmem:s19+$0x2850 ss:$0x81] =	vst.msk $0xffff, v2  }
0x42: {  	s23 =	sshra.s32 s21, $0x2;
	s21 =	smov.u32 s22;
	v7 =	vld [tilespmem:s20+$0xFFFFFFF0];
	[tilespmem:s19+$0x3060 ss:$0x81] =	vst.msk $0xffff, v3  }
.Ltmp3:
0x43: {  	v1 =	vld [tilespmem:s20+$0x0];
	[tilespmem:s19+$0x0 ss:$0x81] =	vst.msk $0xffff, v0;
	s19 =	sadd.s32 s23, s18;
	(pc) =	sbr.rel @p1 .LBB1_3-.Ltmp3, $4  }
0x44: {  	v2 =	vld [tilespmem:s20+$0x10];
	[tilespmem:s19+$0x3870 ss:$0x81] =	vst.msk $0xffff, v4  }
0x45: {  	[tilespmem:s19+$0x810 ss:$0x81] =	vst.msk $0xffff, v5;
	v3 =	vld [tilespmem:s20+$0x20]  }
0x46: {  	v0 =	vld [tilespmem:s20+$0xFFFFFFC0];
	[tilespmem:s19+$0x1020 ss:$0x81] =	vst.msk $0xffff, v6;
	s20 =	sadd.s32 $0x80, s20  }
0x47: {  	s22 =	sadd.s32 $0x4, s22;
	v4 =	vld [tilespmem:s20+$0x30];
	[tilespmem:s19+$0x1830 ss:$0x81] =	vst.msk $0xffff, v7  }
.Ltmp4:
0x48: {  	_ = 	snop;
	(pc) =	sbr.rel .LBB1_4-.Ltmp4, $1  }
0x49: {  	_ =	sdelay $0x3  }
.LBB1_6:
0x4a: {  	_ =	sfence.sel $0x180000  }
0x4b: {  	s2 =	simm.s32 $0x1;
	[bflag:$0x0] =	sbarrier.arrive $0xFFFF  }
0x4c: {  	s31 =	simm.s32 $0x2;
	[sflag:s2] =	ssyncpa.u1 $0x1  }
0x4d: {  	[sflag:s31] =	ssyncpa.u1 $0x1  }
0x4e: {  	p0 =	sne.s32 s0, $0x0;
	_ =	strace $0x90000047  }
0x4f: {  	s0 =	sadd.s32 @!p0 $0x100000, s1;
	[bflag:$0x2] =	sbarrier.arrive $0xFFFF  }
0x50: {  	[sflag:s0] =	ssyncadd.tile.s32 @!p0 $0x1;
	_ =	shalt  }
.Lfunc_end1:
_tile_overlayer_lowered:
.L_overlay_start_2:
0x51: {  	(tag) =	ssettag $0x2  }
0x52: {  	s0 =	rddreg [dreg:$0x0];
	s2 =	stileid.u32  }
0x53: {  	s1 =	rddreg [dreg:$0x1];
	p0 =	sne.s32 s2, $0x0  }
0x54: {  	s3 =	rddreg [dreg:$0x2];
	[bflag:$0x3] =	sbarrier.arrive $0xFFFF;
	s2 =	simm.s32 @!p0 $0x1C01  }
0x55: {  	[timem:s3], [sflag:s2] =	dma.local @!p0 [hbm:s0], s1  }
0x56: {  	s0 =	simm.s32 @!p0 $0x1  }
0x57: {  	_ =	swait.ge @!p0 [sflag:s0], s1  }
0x58: {  	s1 =	ssub.s32 @!p0 $0x0, s1;
	[sflag:s0] =	ssyncset.done @!p0 $0x0  }
0x59: {  	[sflag:s0] =	ssyncadd.s32 @!p0 s1  }
0x5a: {  	[bflag:$0x3] =	sbarrier.arrive $0xFFFF  }
0x5b: {  	_ =	shalt  }

// kernel: sparse-core-data-format-call.cloned.1.call-start
scs
called_computation_lowered:
.L_overlay_start_0:
0x0: {  	s2 =	sld [smem:$0x3FD9]  }
0x1: {  	s3 =	sld [smem:$0x3FFE];
	_ =	sdelay $0x1  }
0x2: {  	s1 =	srdreg.scid  }
0x3: {  	s0 =	sand.u32 $0x1, s1  }
0x4: {  	s18 =	sshll.u32 s0, $0xA;
	s2 =	sadd.s32 s3, s2  }
0x5: {  	s2 =	sadd.s32 s2, s18  }
0x6: {  	[smem:$0x3F74] =	sst s2  }
0x7: {  	_ = 	snop  }
0x8: {  	(tm) =	ssettm $0x1  }
0x9: {  	s19 =	sld [smem:$0x3FFB];
	_ =	sdelay $0x3  }
0xa: {  	_ =	strace s19  }
0xb: {  	s2 =	sld [smem:$0x3FFC];
	_ =	sdelay $0x3  }
0xc: {  	_ =	strace s2  }
0xd: {  	s2 =	sld [smem:$0x3FFD];
	_ =	sdelay $0x3  }
0xe: {  	_ =	strace s2  }
0xf: {  	_ =	strace $0x8FFFFFFF  }
0x10: {  	s20 =	sld [smem:$0x3FDB];
	_ =	sdelay $0x1  }
0x11: {  	s21 =	simm.s32 $_scs_section_size  }
0x12: {  	s4 =	simm.s32 $_size__tile_overlayer_lowered;
	s5 =	simm.s32 $_tile_overlayer_lowered  }
0x13: {  	s6 =	simm.s32 $0x1BFF;
	s22 =	sshll.u32 s5, $0x1;
	s3 =	sadd.s32 s21, s20  }
0x14: {  	s23 =	simm.s32 $0x0;
	s4 =	sshll.u32 s4, $0x1;
	s5 =	sadd.s32 s22, s3  }
0x15: {  	[timem:s23], [sflag:s6] =	dma.local [hbm:s5], s4  }
0x16: {  	_ =	swait.ge [sflag:s6], s4  }
0x17: {  	s4 =	ssub.s32 $0x0, s4;
	[sflag:s6] =	ssyncset.done $0x0  }
0x18: {  	[sflag:s6] =	ssyncadd.s32 s4;
	_ =	sdelay $0x1  }
0x19: {  	s24 =	simm.s32 $0x1B8B  }
0x1a: {  	_ =	swait.ge [sflag:s24], $0x1  }
0x1b: {  	[sflag:s24] =	ssyncset.done $0x0  }
0x1c: {  	[sflag:s24] =	ssyncadd.s32 $0xFFFFFFFF  }
0x1d: {  	s4 =	sld [smem:$0x0]  }
0x1e: {  	s5 =	sand.u32 $0xFFFFFFFE, s1  }
0x1f: {  	p0 =	sne.s32 s1, s5  }
0x20: {  	s5 =	sshll.u32 @p0 s5, $0xE  }
0x21: {  	s5 =	sadd.s32 @p0 $0x11B8D, s5;
	s6 =	sshll.u32 @p0 s4, $0x11  }
0x22: {  	s5 =	sor.u32 @p0 s6, s5  }
0x23: {  	[sflag:s5] =	ssyncadd.remote.s32 @p0 $0x1;
	_ =	sdelay $0x1  }
0x24: {  	s5 =	simm.s32 @p0 $0x1B8D  }
0x25: {  	_ =	swait.eq @p0 [sflag:s5], $0x1  }
0x26: {  	[sflag:s5] =	ssyncadd.s32 @p0 $0xFFFFFFFF  }
0x27: {  	s6 =	sshll.u32 @!p0 s1, $0xE  }
0x28: {  	s6 =	sor.u32 @!p0 $0x4000, s6;
	s5 =	simm.s32 @!p0 $0x1B8D  }
0x29: {  	s4 =	sshll.u32 @!p0 s4, $0x11;
	s6 =	sadd.s32 @!p0 $0x11B8D, s6;
	_ =	swait.eq @!p0 [sflag:s5], $0x1  }
0x2a: {  	s4 =	sor.u32 @!p0 s4, s6;
	[sflag:s5] =	ssyncadd.s32 @!p0 $0xFFFFFFFF  }
0x2b: {  	s26 =	simm.s32 $0x1B8E;
	s25 =	sld [smem:$0x3FFE];
	[sflag:s4] =	ssyncadd.remote.s32 @!p0 $0x1  }
0x2c: {  	s27 =	simm.s32 $execute0_lowered;
	[smem:$0x3FD2] =	sst s26  }
0x2d: {  	s5 =	sshll.u32 s27, $0x1;
	_ =	strace $0x80000049;
	[dreg:$0x1] =	wrdreg $0xFFFFFFFF  }
0x2e: {  	s28 =	simm.s32 $_size_execute0_lowered;
	s3 =	sadd.s32 s3, s5;
	[dreg:$0x0] =	wrdreg $0x0  }
0x2f: {  	s5 =	sshll.u32 s28, $0x1;
	[dreg:$0x2] =	wrdreg s3  }
0x30: {  	[dreg:$0x3] =	wrdreg s5  }
0x31: {  	[dreg:$0x4] =	wrdreg $0xC0  }
0x32: {  	_ =	task [dreg:s23], $0x5FFFF  }
0x33: {  	[dreg:$0x1] =	wrdreg $0xFFFFFFFF  }
0x34: {  	[dreg:$0x0] =	wrdreg $0x60  }
0x35: {  	[dreg:$0x2] =	wrdreg s25  }
0x36: {  	[dreg:$0x3] =	wrdreg $0x9  }
0x37: {  	_ =	task.clear_ibuf [dreg:s23], $0x4FFFF;
	_ =	strace $0x90000049  }
0x38: {  	s29 =	simm.s32 $0x9;
	_ =	strace $0x8000004B  }
0x39: {  	_ =	swait.ge [sflag:s29], $0x1  }
0x3a: {  	[sflag:s29] =	ssyncadd.s32 $0xFFFFFFFF  }
0x3b: {  	_ =	strace $0x9000004B  }
0x3c: {  	_ =	sfence  }
0x3d: {  	s30 =	sld [smem:$0x0];
	_ =	sdelay $0x2  }
0x3e: {  	s31 =	sshll.u32 s1, $0xD;
	s1 =	sshrl.u32 s1, $0x2  }
0x3f: {  	s4 =	sand.u32 $0x4000, s31;
	s1 =	sadd.s32 s1, s30  }
0x40: {  	s0 =	sor.u32 s4, s0;
	s1 =	sshll.u32 s1, $0x11  }
0x41: {  	s0 =	sor.u32 s1, s0  }
0x42: {  	s0 =	sadd.s32 $0x8F2B, s0  }
0x43: {  	[sflag:s0] =	ssyncadd.remote.s32 $0x1  }
0x44: {  	_ =	sfence.sel $0xFFFF  }
0x45: {  	[dreg:$0x0] =	wrdreg $0xFFFFFFFF;
	(pc) =	sbr.abs _section_cstart, $3  }
0x46: {  	[dreg:$0x1] =	wrdreg $0xFFFFFFFF  }
0x47: {  	_ =	task.clear_ibuf [dreg:s23], $0x2FFFF;
	_ =	strace $0x9FFFFFFF  }
0x48: {  	(tm) =	ssettm $0x7FFFFFFF  }
0x49: {  	_ =	shalt  }
tec
execute0_lowered:
.L_overlay_start_1:
0x0: {  	(tag) =	ssettag $0x1  }
0x1: {  	s0 =	stileid.u32;
	s1 =	srdreg.scid  }
0x2: {  	s4 =	rddreg [dreg:$0x0];
	s7 =	simm.s32 $0x1;
	s31 =	simm.s32 $0x2  }
0x3: {  	s16 =	simm.s32 $0x0;
	s2 =	sshll.u32 s0, $0x5;
	s1 =	sshll.u32 s1, $0x9  }
0x4: {  	s9 =	simm.s32 $0x10000;
	s14 =	simm.s32 $0x0;
	s1 =	sor.u32 s2, s1  }
0x5: {  	s15 =	simm.s32 $0x0;
	s10 =	simm.s32 $0x0;
	s2 =	sand.u32 $0x380, s1  }
0x6: {  	s13 =	simm.s32 $0x0;
	s3 =	sadd.s32 $0x880800, s4;
	s5 =	ssub.s32 $0x2000, s2  }
0x7: {  	s4 =	sadd.s32 $0xC80800, s4;
	s1 =	rddreg [dreg:$0x1];
	s6 =	sand.u32 $0x380, s5  }
.Ltmp0:
0x8: {  	_ =	strace $0x8000004A;
	p0 =	sne.s32 s6, $0x0;
	(pc) =	sbr.rel .LBB1_1-.Ltmp0, $4  }
0x9: {  	s11 =	smov.u32 s2;
	s8 =	sshrl.u32 s5, $0xA;
	s7 =	simm.s32 @!p0 $0x0  }
0xa: {  	s5 =	sand.u32 $0x3, s0;
	s6 =	simm.s32 $0x1;
	s7 =	sadd.s32 s7, s8  }
0xb: {  	s12 =	smov.u32 s5;
	[sflag:s6] =	ssyncpa.u1 $0x0;
	s7 =	sshll.u32 s7, $0x3  }
0xc: {  	p0 =	por $0x0, $0x0;
	[sflag:s31] =	ssyncpa.u1 $0x0;
	s8 =	sor.u32 $0x1, s7  }
.LBB1_4:
0xd: {  	v5 =	vld [tilespmem:s19+$0xFFFFFFD0]  }
0xe: {  	[tilespmem:s20+$0x2040 ss:$0x81] =	vst.msk $0xffff, v1;
	v58 =	vld [tilespmem:s19+$0xFFFFFFE0]  }
0xf: {  	[tilespmem:s20+$0x2850 ss:$0x81] =	vst.msk $0xffff, v2;
	v59 =	vld [tilespmem:s19+$0xFFFFFFF0]  }
0x10: {  	s21 =	sshra.s32 s21, $0x2;
	[tilespmem:s20+$0x3060 ss:$0x81] =	vst.msk $0xffff, v3;
	v60 =	vld [tilespmem:s19+$0x0]  }
0x11: {  	[tilespmem:s20+$0x0 ss:$0x81] =	vst.msk $0xffff, v0;
	v61 =	vld [tilespmem:s19+$0x10];
	s18 =	sadd.s32 s21, s18  }
0x12: {  	s26 =	sshll.u32 s16, $0xD;
	v62 =	vld [tilespmem:s19+$0x20];
	[tilespmem:s18+$0x3870 ss:$0x81] =	vst.msk $0xffff, v4  }
0x13: {  	s27 =	sand.u32 $0x78, s14;
	s22 =	sshll.u32 s14, $0x3;
	v63 =	vld [tilespmem:s19+$0xFFFFFFC0];
	s29 =	sshll.u32 s16, $0x7;
	[tilespmem:s18+$0x810 ss:$0x81] =	vst.msk $0xffff, v5  }
0x14: {  	s15 =	sshll.u32 s15, $0x14;
	s20 =	sand.u32 $0x7F0000, s26;
	s28 =	sand.u32 $0x7FFC00, s22;
	[tilespmem:s18+$0x1020 ss:$0x81] =	vst.msk $0xffff, v58  }
0x15: {  	s31 =	sand.u32 $0x7, s14;
	s22 =	sand.u32 $0x1C00, s22;
	s19 =	sadd.s32 s28, s20;
	[tilespmem:s18+$0x1830 ss:$0x81] =	vst.msk $0xffff, v59  }
0x16: {  	s16 =	sand.u32 $0x380, s29;
	s30 =	sor.u32 s27, s22;
	s19 =	sshrl.u32 s19, $0x3;
	[tilespmem:s18+$0x2040 ss:$0x81] =	vst.msk $0xffff, v60  }
0x17: {  	s15 =	sadd.s32 s4, s15;
	s16 =	sor.u32 s16, s30;
	s19 =	sand.u32 $0xFFC00, s19;
	[tilespmem:s18+$0x2850 ss:$0x81] =	vst.msk $0xffff, v61  }
0x18: {  	s14 =	sshll.u32 s31, $0x12;
	s16 =	sshrl.u32 s16, $0x3;
	[tilespmem:s18+$0x3060 ss:$0x81] =	vst.msk $0xffff, v62;
	s15 =	sadd.s32 s19, s15  }
0x19: {  	s14 =	sor.u32 $0x400, s14;
	[tilespmem:s18+$0x0 ss:$0x81] =	vst.msk $0xffff, v63;
	s15 =	sadd.s32 s16, s15  }
0x1a: {  	[hbm4b:s15+s14] =	stream.strided.scatter [tilespmem:s17], [sflag:$0x2], $0x4000, s9, s14, $0x20;
	[tilespmem:$0x10100] =	vst v63  }
.LBB1_5:
0x1b: {  	s17 =	sadd.s32 $0x80, s10  }
0x1c: {  	s14 =	sadd.s32 $0x400, s11;
	s18 =	smov.u32 s11;
	p2 =	sgt.s32 s17, $0x3FF  }
0x1d: {  	s18 =	smov.u32 @p2 s14  }
0x1e: {  	s20 =	smov.u32 s12;
	s14 =	sadd.s32 $0x4, s12;
	p3 =	sgt.s32 s18, $0x1FFF  }
0x1f: {  	s20 =	smov.u32 @p3 s14  }
0x20: {  	s17 =	simm.s32 @p2 $0x0;
	p2 =	sgt.s32 s20, $0x3  }
0x21: {  	p1 =	slt.u32 s13, $0x2;
	s20 =	smov.u32 @p2 s5;
	p2 =	sne.s32 s13, s8  }
.Ltmp1:
0x22: {  	s19 =	simm.s32 @!p1 $0x2;
	(pc) =	sbr.rel @!p2 .LBB1_6-.Ltmp1, $4  }
0x23: {  	s16 =	smov.u32 s10;
	s15 =	smov.u32 s12;
	_ =	swait.ge @!p1 [sflag:s19], $0x4000  }
0x24: {  	p0 =	por !p0, !p0;
	[sflag:s19] =	ssyncset.done @!p1 $0x0;
	s10 =	smov.u32 s17  }
0x25: {  	s18 =	smov.u32 @p3 s2;
	s14 =	smov.u32 s11;
	[sflag:s19] =	ssyncadd.s32 @!p1 $0xFFFFC000  }
0x26: {  	s11 =	smov.u32 s18;
	s13 =	sadd.s32 $0x1, s13;
	s12 =	smov.u32 s20  }
.LBB1_1:
0x27: {  	p1 =	sge.u32 s13, s7  }
0x28: {  	s31 =	sadd.s32 $0xFFFFFFFF, s13;
	s17 =	sshll.u32 @!p1 s11, $0x7  }
0x29: {  	s18 =	sxor.u32 @!p1 $0xFFFFFFFF, s13;
	s19 =	sand.u32 @!p1 $0x78, s10;
	s20 =	sand.u32 @!p1 $0x380, s17  }
0x2a: {  	s18 =	sshll.u32 @!p1 s18, $0xE;
	s19 =	sor.u32 @!p1 s19, s20;
	s20 =	sshll.u32 @!p1 s12, $0x14  }
0x2b: {  	s17 =	sand.u32 @!p1 $0xFFC00, s17;
	s19 =	sshrl.u32 @!p1 s19, $0x3;
	s20 =	sadd.s32 @!p1 s3, s20  }
0x2c: {  	s17 =	sadd.s32 @!p1 s10, s17;
	s19 =	sadd.s32 @!p1 s19, s20;
	s20 =	sand.u32 @!p1 $0x7, s10  }
0x2d: {  	s18 =	sand.u32 @!p1 $0x4000, s18;
	s17 =	sand.u32 @!p1 $0xFFF80, s17;
	s20 =	sshll.u32 @!p1 s20, $0x12  }
0x2e: {  	s17 =	sadd.s32 @!p1 s17, s19;
	s19 =	sor.u32 @!p1 $0x400, s20;
	s20 =	simm.s32 @!p1 $0x2000  }
0x2f: {  	[tilespmem:s18], [sflag:$0x1] =	stream.strided.gather @!p1 [hbm4b:s17+s19], $0x4000, s20, s19, $0x38;
	[tilespmem:$0x10100] =	vst v63  }
0x30: {  	p1 =	sge.u32 s31, s7  }
.Ltmp2:
0x31: {  	_ = 	snop;
	(pc) =	sbr.rel @p1 .LBB1_5-.Ltmp2, $1  }
0x32: {  	_ =	sdelay $0x3  }
0x33: {  	s17 =	simm.s32 $0x1  }
0x34: {  	_ =	swait.ge [sflag:s6], $0x4000;
	s17 =	simm.s32 @!p0 $0x0  }
0x35: {  	[sflag:s6] =	ssyncset.done $0x0;
	s18 =	sshll.u32 s17, $0xE  }
0x36: {  	[sflag:s6] =	ssyncadd.s32 $0xFFFFC000;
	s19 =	sor.u32 $0x40, s18  }
0x37: {  	s17 =	smul.u32 $0x10200, s17;
	v0 =	vld [tilespmem:s19+$0x30]  }
0x38: {  	v3 =	vld [tilespmem:s19+$0xFFFFFFD0]  }
0x39: {  	s17 =	sshrl.u32 s17, $0x2;
	v4 =	vld [tilespmem:s19+$0xFFFFFFE0]  }
0x3a: {  	v5 =	vld [tilespmem:s19+$0xFFFFFFF0];
	s18 =	sor.u32 $0x8000, s17  }
0x3b: {  	s31 =	sand.u32 $0x1, s13;
	v1 =	vld [tilespmem:s19+$0x0];
	s20 =	sadd.s32 $0x0, s18  }
0x3c: {  	v2 =	vld [tilespmem:s19+$0x10];
	s17 =	smul.u32 $0x10200, s31;
	[tilespmem:s20+$0x3870 ss:$0x81] =	vst.msk $0xffff, v0  }
0x3d: {  	[tilespmem:s20+$0x810 ss:$0x81] =	vst.msk $0xffff, v3;
	v3 =	vld [tilespmem:s19+$0x20]  }
0x3e: {  	s17 =	sshrl.u32 s17, $0x2;
	v0 =	vld [tilespmem:s19+$0xFFFFFFC0];
	[tilespmem:s20+$0x1020 ss:$0x81] =	vst.msk $0xffff, v4;
	s19 =	sadd.s32 $0x80, s19  }
0x3f: {  	s21 =	simm.s32 $0x4;
	s22 =	simm.s32 $0x8;
	s17 =	sor.u32 $0x8000, s17;
	[tilespmem:s20+$0x1830 ss:$0x81] =	vst.msk $0xffff, v5;
	v4 =	vld [tilespmem:s19+$0x30]  }
.LBB1_3:
0x40: {  	p1 =	sne.s32 s22, $0x1FC;
	v5 =	vld [tilespmem:s19+$0xFFFFFFD0];
	[tilespmem:s20+$0x2040 ss:$0x81] =	vst.msk $0xffff, v1  }
0x41: {  	v6 =	vld [tilespmem:s19+$0xFFFFFFE0];
	[tilespmem:s20+$0x2850 ss:$0x81] =	vst.msk $0xffff, v2  }
0x42: {  	s23 =	sshra.s32 s21, $0x2;
	s21 =	smov.u32 s22;
	v7 =	vld [tilespmem:s19+$0xFFFFFFF0];
	[tilespmem:s20+$0x3060 ss:$0x81] =	vst.msk $0xffff, v3  }
.Ltmp3:
0x43: {  	v1 =	vld [tilespmem:s19+$0x0];
	[tilespmem:s20+$0x0 ss:$0x81] =	vst.msk $0xffff, v0;
	s20 =	sadd.s32 s23, s18;
	(pc) =	sbr.rel @p1 .LBB1_3-.Ltmp3, $4  }
0x44: {  	v2 =	vld [tilespmem:s19+$0x10];
	[tilespmem:s20+$0x3870 ss:$0x81] =	vst.msk $0xffff, v4  }
0x45: {  	[tilespmem:s20+$0x810 ss:$0x81] =	vst.msk $0xffff, v5;
	v3 =	vld [tilespmem:s19+$0x20]  }
0x46: {  	v0 =	vld [tilespmem:s19+$0xFFFFFFC0];
	[tilespmem:s20+$0x1020 ss:$0x81] =	vst.msk $0xffff, v6;
	s19 =	sadd.s32 $0x80, s19  }
0x47: {  	s22 =	sadd.s32 $0x4, s22;
	v4 =	vld [tilespmem:s19+$0x30];
	[tilespmem:s20+$0x1830 ss:$0x81] =	vst.msk $0xffff, v7  }
.Ltmp4:
0x48: {  	_ = 	snop;
	(pc) =	sbr.rel .LBB1_4-.Ltmp4, $1  }
0x49: {  	_ =	sdelay $0x3  }
.LBB1_6:
0x4a: {  	_ =	sfence.sel $0x180000  }
0x4b: {  	s2 =	simm.s32 $0x1;
	[bflag:$0x0] =	sbarrier.arrive $0xFFFF  }
0x4c: {  	s31 =	simm.s32 $0x2;
	[sflag:s2] =	ssyncpa.u1 $0x1  }
0x4d: {  	[sflag:s31] =	ssyncpa.u1 $0x1  }
0x4e: {  	p0 =	sne.s32 s0, $0x0;
	_ =	strace $0x9000004A  }
0x4f: {  	s0 =	sadd.s32 @!p0 $0x100000, s1;
	[bflag:$0x2] =	sbarrier.arrive $0xFFFF  }
0x50: {  	[sflag:s0] =	ssyncadd.tile.s32 @!p0 $0x1;
	_ =	shalt  }
.Lfunc_end1:
_tile_overlayer_lowered:
.L_overlay_start_2:
0x51: {  	(tag) =	ssettag $0x2  }
0x52: {  	s0 =	rddreg [dreg:$0x0];
	s2 =	stileid.u32  }
0x53: {  	s1 =	rddreg [dreg:$0x1];
	p0 =	sne.s32 s2, $0x0  }
0x54: {  	s3 =	rddreg [dreg:$0x2];
	[bflag:$0x3] =	sbarrier.arrive $0xFFFF;
	s2 =	simm.s32 @!p0 $0x1C01  }
0x55: {  	[timem:s3], [sflag:s2] =	dma.local @!p0 [hbm:s0], s1  }
0x56: {  	s0 =	simm.s32 @!p0 $0x1  }
0x57: {  	_ =	swait.ge @!p0 [sflag:s0], s1  }
0x58: {  	s1 =	ssub.s32 @!p0 $0x0, s1;
	[sflag:s0] =	ssyncset.done @!p0 $0x0  }
0x59: {  	[sflag:s0] =	ssyncadd.s32 @!p0 s1  }
0x5a: {  	[bflag:$0x3] =	sbarrier.arrive $0xFFFF  }
0x5b: {  	_ =	shalt  }

</sc_bundles>
